<compile_context>
chip_gen: v7x
topology: tpu7x:2x2x1
jax: 0.10.2.dev20260603
libtpu: 0.0.44.dev20260713+nightly
codegen_flags: <defaults>
</compile_context>

<pallas_src>
import functools

import jax
import jax.numpy as jnp
from jax import lax
from jax.experimental import pallas as pl
from jax.experimental.pallas import tpu as pltpu
from jax.experimental.pallas import tpu_sc as plsc

B, C, HW = 8, 768, 1024
K, D = 8192, 256
CC = 0.25
KBLK = 1024
NKB = K // KBLK


def _vq_body(idx_ref, flat_ref, q_ref, wq_ref, bq_ref,
             gd_ref, loss_ref, perp_ref,
             cnt_ref, lacc_ref):
    r = pl.program_id(0)

    @pl.when(r == 0)
    def _():
        cnt_ref[...] = jnp.zeros((128, 64), jnp.float32)
        lacc_ref[...] = jnp.zeros((1, 1), jnp.float32)

    q = q_ref[0]
    gd_ref[0] = lax.dot_general(
        wq_ref[...].astype(jnp.bfloat16), q.astype(jnp.bfloat16),
        (((1,), (1,)), ((), ())),
        preferred_element_type=jnp.float32) + bq_ref[...]
    res = q - flat_ref[0]
    lacc_ref[...] += jnp.sum(res * res).reshape(1, 1)
    hi = lax.shift_right_logical(idx_ref[0], 6)
    lo = idx_ref[0] & 63
    e_hi = (hi == lax.broadcasted_iota(jnp.int32, (1, 128), 1)
            ).astype(jnp.float32)
    e_lo = (lo == lax.broadcasted_iota(jnp.int32, (1, 64), 1)
            ).astype(jnp.float32)
    cnt_ref[...] += lax.dot_general(
        e_hi, e_lo, (((0,), (0,)), ((), ())),
        preferred_element_type=jnp.float32,
        precision=jax.lax.Precision.HIGHEST)

    @pl.when(r == B - 1)
    def _():
        p = cnt_ref[...] * (1.0 / 8192.0)
        ent = jnp.sum(p * jnp.log(p + 1e-10))
        perp_ref[...] = jnp.exp(-ent).reshape(1, 1)
        loss_ref[...] = lacc_ref[...] * ((1.0 + CC) / (8192.0 * 256.0))


def _vq_call(idx_col, flat3, q3, w_post, b_post):
    return pl.pallas_call(
        _vq_body,
        grid=(B,),
        in_specs=[
            pl.BlockSpec((1, HW, 1), lambda r: (r, 0, 0)),
            pl.BlockSpec((1, HW, D), lambda r: (r, 0, 0)),
            pl.BlockSpec((1, HW, D), lambda r: (r, 0, 0)),
            pl.BlockSpec((C, D), lambda r: (0, 0)),
            pl.BlockSpec((C, 1), lambda r: (0, 0)),
        ],
        out_specs=[
            pl.BlockSpec((1, C, HW), lambda r: (r, 0, 0)),
            pl.BlockSpec((1, 1), lambda r: (0, 0)),
            pl.BlockSpec((1, 1), lambda r: (0, 0)),
        ],
        out_shape=[
            jax.ShapeDtypeStruct((B, C, HW), jnp.float32),
            jax.ShapeDtypeStruct((1, 1), jnp.float32),
            jax.ShapeDtypeStruct((1, 1), jnp.float32),
        ],
        scratch_shapes=[
            pltpu.VMEM((128, 64), jnp.float32),
            pltpu.VMEM((1, 1), jnp.float32),
        ],
        compiler_params=pltpu.CompilerParams(
            dimension_semantics=("arbitrary",)),
    )(idx_col, flat3, q3, w_post, b_post)


def _sc_gather(cb_hbm, idx_hbm, q_out,
               idx_a, idx_b, rows_a, rows_b, sem_a, sem_b):
    cid = lax.axis_index("c")
    sid = lax.axis_index("s")
    wid = sid * 2 + cid
    base = wid * 256

    pltpu.sync_copy(idx_hbm.at[pl.ds(base, 128)], idx_a)
    pltpu.sync_copy(idx_hbm.at[pl.ds(base + 128, 128)], idx_b)
    cp_a = pltpu.async_copy(cb_hbm.at[idx_a], rows_a, sem_a)
    cp_b = pltpu.async_copy(cb_hbm.at[idx_b], rows_b, sem_b)
    cp_a.wait()
    cp_b.wait()
    pltpu.sync_copy(rows_a, q_out.at[pl.ds(base, 128)])
    pltpu.sync_copy(rows_b, q_out.at[pl.ds(base + 128, 128)])


def _sc_call(codebook, idx_flat):
    mesh = plsc.VectorSubcoreMesh(core_axis_name="c", subcore_axis_name="s")
    kfn = functools.partial(
        pl.kernel,
        mesh=mesh,
        out_type=jax.ShapeDtypeStruct((K, D), jnp.float32),
        scratch_types=[
            pltpu.VMEM((128,), jnp.int32),
            pltpu.VMEM((128,), jnp.int32),
            pltpu.VMEM((128, D), jnp.float32),
            pltpu.VMEM((128, D), jnp.float32),
            pltpu.SemaphoreType.DMA,
            pltpu.SemaphoreType.DMA,
        ],
    )(_sc_gather)
    return kfn(codebook, idx_flat)


def kernel(bottom_encoding, W_pre, b_pre, codebook, W_post, b_post):
    enc = (jnp.einsum('bchw,dc->bdhw', bottom_encoding, W_pre)
           + b_pre[None, :, None, None])
    z = jnp.transpose(enc, (0, 2, 3, 1))
    flat = z.reshape(-1, D)
    d = (jnp.sum(flat ** 2, axis=1, keepdims=True)
         + jnp.sum(codebook ** 2, axis=1)[None, :]
         - 2.0 * flat @ codebook.T)
    idx = jnp.argmin(d, axis=1)
    q = _sc_call(codebook, idx.astype(jnp.int32))
    gd, loss, perp = _vq_call(idx.reshape(B, HW, 1).astype(jnp.int32),
                              flat.reshape(B, HW, D), q.reshape(B, HW, D),
                              W_post, b_post.reshape(C, 1))
    return (loss.reshape(()), gd.reshape(B, C, 32, 32),
            perp.reshape(()), idx.reshape(B, 32, 32))

# --- scband reference (transcript-rebuilt; emitter-appended) ---
"""Pipeline reference for scband-vq-90967407329785 (READ-ONLY COPY).

The authoritative reference and input builder live on the scoring server;
editing this copy changes nothing except your own understanding.
"""

import jax, jax.numpy as jnp
import numpy as np

B, C, H, W = 8, 768, 32, 32
K, D = 8192, 256
CC = 0.25

def setup_inputs(seed: int = 0):
    key = jax.random.key(seed)
    ks = jax.random.split(key, 6)
    return {
        "bottom_encoding": jax.random.normal(ks[0], (B, C, H, W), dtype=jnp.float32),
        "W_pre": jax.random.normal(ks[1], (D, C), dtype=jnp.float32) * 0.02,
        "b_pre": jnp.zeros((D,), dtype=jnp.float32),
        "codebook": jax.random.normal(ks[2], (K, D), dtype=jnp.float32),
        "W_post": jax.random.normal(ks[3], (C, D), dtype=jnp.float32) * 0.02,
        "b_post": jnp.zeros((C,), dtype=jnp.float32),
    }

def reference(bottom_encoding, W_pre, b_pre, codebook, W_post, b_post):
    # pre_vq_conv: 1x1 conv C -> D
    enc = jnp.einsum('bchw,dc->bdhw', bottom_encoding, W_pre) + b_pre[None, :, None, None]
    # VectorQuantizer: BCHW -> BHWC -> flatten
    z = jnp.transpose(enc, (0, 2, 3, 1))
    flat = z.reshape(-1, D)
    # distances to codebook
    d = (jnp.sum(flat ** 2, axis=1, keepdims=True)
         + jnp.sum(codebook ** 2, axis=1)[None, :]
         - 2.0 * flat @ codebook.T)
    idx = jnp.argmin(d, axis=1)
    q = jnp.take(codebook, idx, axis=0)
    # losses
    e_latent_loss = jnp.mean((jax.lax.stop_gradient(q) - flat) ** 2)
    q_latent_loss = jnp.mean((q - jax.lax.stop_gradient(flat)) ** 2)
    loss = q_latent_loss + CC * e_latent_loss
    # straight-through estimator
    q_st = flat + jax.lax.stop_gradient(q - flat)
    # perplexity
    avg_probs = jnp.bincount(idx, length=K).astype(jnp.float32) / flat.shape[0]
    perplexity = jnp.exp(-jnp.sum(avg_probs * jnp.log(avg_probs + 1e-10)))
    # back to BCHW
    qz = q_st.reshape(z.shape)
    qc = jnp.transpose(qz, (0, 3, 1, 2))
    # post_vq_conv: 1x1 conv D -> C
    global_decode = jnp.einsum('bdhw,cd->bchw', qc, W_post) + b_post[None, :, None, None]
    indices = idx.reshape(B, H, W)
    return (loss, global_decode, perplexity, indices)

if __name__ == "__main__":
    import jax
    _d = setup_inputs()
    print(jax.jit(kernel)(*tuple(_d.values())))

</pallas_src>

<mosaic_0001>
#map = affine_map<(d0, d1) -> (0, 0)>
#map1 = affine_map<(d0, d1) -> (0)>
module attributes {stable_mosaic.version = 14 : i64} {
  func.func @_sc_gather(%arg0: i32, %arg1: i32, %arg2: memref<8192x256xf32, #tpu.memory_space<hbm>>, %arg3: memref<8192xi32, #tpu.memory_space<hbm>>, %arg4: memref<8192x256xf32, #tpu.memory_space<hbm>>, %arg5: memref<128xi32, #tpu.memory_space<vmem>>, %arg6: memref<128xi32, #tpu.memory_space<vmem>>, %arg7: memref<128x256xf32, #tpu.memory_space<vmem>>, %arg8: memref<128x256xf32, #tpu.memory_space<vmem>>, %arg9: memref<!tpu.dma_semaphore, #tpu.memory_space<semaphore_mem>>, %arg10: memref<!tpu.dma_semaphore, #tpu.memory_space<semaphore_mem>>) attributes {dimension_semantics = [#tpu.dimension_semantics<core_parallel>, #tpu.dimension_semantics<subcore_parallel>], iteration_bounds = array<i64: 2, 16>, scalar_prefetch = 0 : i64, scratch_operands = 6 : i64, tpu.core_type = #tpu.core_type<sc_vector_subcore>, window_params = [{transform_indices = #map}, {transform_indices = #map1}, {transform_indices = #map}]} {
    %mul3A = arith.constant 2 : i32
    %mul3A_0 = arith.muli %arg1, %mul3A : i32
    %add3A = arith.addi %mul3A_0, %arg0 : i32
    %mul3A_1 = arith.constant 256 : i32
    %mul3A_2 = arith.muli %add3A, %mul3A_1 : i32
    "tpu.region"() ({
      %run_scoped3A = tpu.sem_alloc : memref<!tpu.dma_semaphore, #tpu.memory_space<semaphore_mem>>
      %dma_start3A_17 = tpu.memref_slice %arg3[%mul3A_2] : memref<8192xi32, #tpu.memory_space<hbm>> -> memref<128xi32, #tpu.memory_space<hbm>>
      %dma_start3A_18 = tpu.memref_slice %arg3[%mul3A_2] : memref<8192xi32, #tpu.memory_space<hbm>> -> memref<128xi32, #tpu.memory_space<hbm>>
      tpu.enqueue_dma source(%dma_start3A_18 : memref<128xi32, #tpu.memory_space<hbm>>) target(%arg5 : memref<128xi32, #tpu.memory_space<vmem>>) target_semaphore(%run_scoped3A : memref<!tpu.dma_semaphore, #tpu.memory_space<semaphore_mem>>)
      %dma_wait3A_19 = tpu.memref_slice %arg3[%mul3A_2] : memref<8192xi32, #tpu.memory_space<hbm>> -> memref<128xi32, #tpu.memory_space<hbm>>
      %dma_wait3A_20 = tpu.memref_slice %arg3[%mul3A_2] : memref<8192xi32, #tpu.memory_space<hbm>> -> memref<128xi32, #tpu.memory_space<hbm>>
      tpu.wait_dma2 semaphore(%run_scoped3A : memref<!tpu.dma_semaphore, #tpu.memory_space<semaphore_mem>>) src(%dma_wait3A_20 : memref<128xi32, #tpu.memory_space<hbm>>) dst(%arg5 : memref<128xi32, #tpu.memory_space<vmem>>)
      tpu.yield
    }) : () -> ()
    %add3A_3 = arith.constant 128 : i32
    %add3A_4 = arith.addi %mul3A_2, %add3A_3 : i32
    "tpu.region"() ({
      %run_scoped3A = tpu.sem_alloc : memref<!tpu.dma_semaphore, #tpu.memory_space<semaphore_mem>>
      %dma_start3A_17 = tpu.memref_slice %arg3[%add3A_4] : memref<8192xi32, #tpu.memory_space<hbm>> -> memref<128xi32, #tpu.memory_space<hbm>>
      %dma_start3A_18 = tpu.memref_slice %arg3[%add3A_4] : memref<8192xi32, #tpu.memory_space<hbm>> -> memref<128xi32, #tpu.memory_space<hbm>>
      tpu.enqueue_dma source(%dma_start3A_18 : memref<128xi32, #tpu.memory_space<hbm>>) target(%arg6 : memref<128xi32, #tpu.memory_space<vmem>>) target_semaphore(%run_scoped3A : memref<!tpu.dma_semaphore, #tpu.memory_space<semaphore_mem>>)
      %dma_wait3A_19 = tpu.memref_slice %arg3[%add3A_4] : memref<8192xi32, #tpu.memory_space<hbm>> -> memref<128xi32, #tpu.memory_space<hbm>>
      %dma_wait3A_20 = tpu.memref_slice %arg3[%add3A_4] : memref<8192xi32, #tpu.memory_space<hbm>> -> memref<128xi32, #tpu.memory_space<hbm>>
      tpu.wait_dma2 semaphore(%run_scoped3A : memref<!tpu.dma_semaphore, #tpu.memory_space<semaphore_mem>>) src(%dma_wait3A_20 : memref<128xi32, #tpu.memory_space<hbm>>) dst(%arg6 : memref<128xi32, #tpu.memory_space<vmem>>)
      tpu.yield
    }) : () -> ()
    %dma_start3A = arith.constant 0 : i32
    %dma_start3A_5 = arith.constant 0 : i32
    %dma_start3A_6 = tpu.memref_slice %arg2[%dma_start3A, %dma_start3A_5] : memref<8192x256xf32, #tpu.memory_space<hbm>> -> memref<8192x256xf32, #tpu.memory_space<hbm>>
    tpu.enqueue_indirect_dma source(%dma_start3A_6 : memref<8192x256xf32, #tpu.memory_space<hbm>>) target(%arg7 : memref<128x256xf32, #tpu.memory_space<vmem>>) offsets(%arg5 : memref<128xi32, #tpu.memory_space<vmem>>) semaphore(%arg9 : memref<!tpu.dma_semaphore, #tpu.memory_space<semaphore_mem>>)
    %dma_start3A_7 = arith.constant 0 : i32
    %dma_start3A_8 = arith.constant 0 : i32
    %dma_start3A_9 = tpu.memref_slice %arg2[%dma_start3A_7, %dma_start3A_8] : memref<8192x256xf32, #tpu.memory_space<hbm>> -> memref<8192x256xf32, #tpu.memory_space<hbm>>
    tpu.enqueue_indirect_dma source(%dma_start3A_9 : memref<8192x256xf32, #tpu.memory_space<hbm>>) target(%arg8 : memref<128x256xf32, #tpu.memory_space<vmem>>) offsets(%arg6 : memref<128xi32, #tpu.memory_space<vmem>>) semaphore(%arg10 : memref<!tpu.dma_semaphore, #tpu.memory_space<semaphore_mem>>)
    %dma_wait3A = arith.constant 0 : i32
    %dma_wait3A_10 = arith.constant 0 : i32
    %dma_wait3A_11 = tpu.memref_slice %arg2[%dma_wait3A, %dma_wait3A_10] : memref<8192x256xf32, #tpu.memory_space<hbm>> -> memref<8192x256xf32, #tpu.memory_space<hbm>>
    tpu.wait_indirect_dma semaphore(%arg9 : memref<!tpu.dma_semaphore, #tpu.memory_space<semaphore_mem>>) src(%dma_wait3A_11 : memref<8192x256xf32, #tpu.memory_space<hbm>>) dst(%arg7 : memref<128x256xf32, #tpu.memory_space<vmem>>)
    %dma_wait3A_12 = arith.constant 0 : i32
    %dma_wait3A_13 = arith.constant 0 : i32
    %dma_wait3A_14 = tpu.memref_slice %arg2[%dma_wait3A_12, %dma_wait3A_13] : memref<8192x256xf32, #tpu.memory_space<hbm>> -> memref<8192x256xf32, #tpu.memory_space<hbm>>
    tpu.wait_indirect_dma semaphore(%arg10 : memref<!tpu.dma_semaphore, #tpu.memory_space<semaphore_mem>>) src(%dma_wait3A_14 : memref<8192x256xf32, #tpu.memory_space<hbm>>) dst(%arg8 : memref<128x256xf32, #tpu.memory_space<vmem>>)
    "tpu.region"() ({
      %run_scoped3A = tpu.sem_alloc : memref<!tpu.dma_semaphore, #tpu.memory_space<semaphore_mem>>
      %dma_start3A_17 = arith.constant 0 : i32
      %dma_start3A_18 = tpu.memref_slice %arg4[%mul3A_2, %dma_start3A_17] : memref<8192x256xf32, #tpu.memory_space<hbm>> -> memref<128x256xf32, #tpu.memory_space<hbm>>
      %dma_start3A_19 = arith.constant 0 : i32
      %dma_start3A_20 = tpu.memref_slice %arg4[%mul3A_2, %dma_start3A_19] : memref<8192x256xf32, #tpu.memory_space<hbm>> -> memref<128x256xf32, #tpu.memory_space<hbm>>
      tpu.enqueue_dma source(%arg7 : memref<128x256xf32, #tpu.memory_space<vmem>>) target(%dma_start3A_20 : memref<128x256xf32, #tpu.memory_space<hbm>>) target_semaphore(%run_scoped3A : memref<!tpu.dma_semaphore, #tpu.memory_space<semaphore_mem>>)
      %dma_wait3A_21 = arith.constant 0 : i32
      %dma_wait3A_22 = tpu.memref_slice %arg4[%mul3A_2, %dma_wait3A_21] : memref<8192x256xf32, #tpu.memory_space<hbm>> -> memref<128x256xf32, #tpu.memory_space<hbm>>
      %dma_wait3A_23 = arith.constant 0 : i32
      %dma_wait3A_24 = tpu.memref_slice %arg4[%mul3A_2, %dma_wait3A_23] : memref<8192x256xf32, #tpu.memory_space<hbm>> -> memref<128x256xf32, #tpu.memory_space<hbm>>
      tpu.wait_dma2 semaphore(%run_scoped3A : memref<!tpu.dma_semaphore, #tpu.memory_space<semaphore_mem>>) src(%arg7 : memref<128x256xf32, #tpu.memory_space<vmem>>) dst(%dma_wait3A_24 : memref<128x256xf32, #tpu.memory_space<hbm>>)
      tpu.yield
    }) : () -> ()
    %add3A_15 = arith.constant 128 : i32
    %add3A_16 = arith.addi %mul3A_2, %add3A_15 : i32
    "tpu.region"() ({
      %run_scoped3A = tpu.sem_alloc : memref<!tpu.dma_semaphore, #tpu.memory_space<semaphore_mem>>
      %dma_start3A_17 = arith.constant 0 : i32
      %dma_start3A_18 = tpu.memref_slice %arg4[%add3A_16, %dma_start3A_17] : memref<8192x256xf32, #tpu.memory_space<hbm>> -> memref<128x256xf32, #tpu.memory_space<hbm>>
      %dma_start3A_19 = arith.constant 0 : i32
      %dma_start3A_20 = tpu.memref_slice %arg4[%add3A_16, %dma_start3A_19] : memref<8192x256xf32, #tpu.memory_space<hbm>> -> memref<128x256xf32, #tpu.memory_space<hbm>>
      tpu.enqueue_dma source(%arg8 : memref<128x256xf32, #tpu.memory_space<vmem>>) target(%dma_start3A_20 : memref<128x256xf32, #tpu.memory_space<hbm>>) target_semaphore(%run_scoped3A : memref<!tpu.dma_semaphore, #tpu.memory_space<semaphore_mem>>)
      %dma_wait3A_21 = arith.constant 0 : i32
      %dma_wait3A_22 = tpu.memref_slice %arg4[%add3A_16, %dma_wait3A_21] : memref<8192x256xf32, #tpu.memory_space<hbm>> -> memref<128x256xf32, #tpu.memory_space<hbm>>
      %dma_wait3A_23 = arith.constant 0 : i32
      %dma_wait3A_24 = tpu.memref_slice %arg4[%add3A_16, %dma_wait3A_23] : memref<8192x256xf32, #tpu.memory_space<hbm>> -> memref<128x256xf32, #tpu.memory_space<hbm>>
      tpu.wait_dma2 semaphore(%run_scoped3A : memref<!tpu.dma_semaphore, #tpu.memory_space<semaphore_mem>>) src(%arg8 : memref<128x256xf32, #tpu.memory_space<vmem>>) dst(%dma_wait3A_24 : memref<128x256xf32, #tpu.memory_space<hbm>>)
      tpu.yield
    }) : () -> ()
    return
  }
}

module attributes {stable_mosaic.version = 14 : i64} {
  func.func @_vq_body(%arg0: i32, %arg1: memref<1x1024x1xi32, #tpu.memory_space<vmem>>, %arg2: memref<1x1024x256xf32, #tpu.memory_space<vmem>>, %arg3: memref<1x1024x256xf32, #tpu.memory_space<vmem>>, %arg4: memref<768x256xf32, #tpu.memory_space<vmem>>, %arg5: memref<768x1xf32, #tpu.memory_space<vmem>>, %arg6: memref<1x768x1024xf32, #tpu.memory_space<vmem>>, %arg7: memref<1x1xf32, #tpu.memory_space<vmem>>, %arg8: memref<1x1xf32, #tpu.memory_space<vmem>>, %arg9: memref<128x64xf32, #tpu.memory_space<vmem>>, %arg10: memref<1x1xf32, #tpu.memory_space<vmem>>) attributes {dimension_semantics = [#tpu.dimension_semantics<arbitrary>], iteration_bounds = array<i64: 8>, scalar_prefetch = 0 : i64, scratch_operands = 2 : i64, tpu.core_type = #tpu.core_type<tc>, window_params = [{transform_indices = @transform_0, window_bounds = array<i64: 1, 1024, 1>}, {transform_indices = @transform_1, window_bounds = array<i64: 1, 1024, 256>}, {transform_indices = @transform_2, window_bounds = array<i64: 1, 1024, 256>}, {pipeline_mode = #tpu.pipeline_mode<synchronous>, transform_indices = @transform_3, window_bounds = array<i64: 768, 256>}, {pipeline_mode = #tpu.pipeline_mode<synchronous>, transform_indices = @transform_4, window_bounds = array<i64: 768, 1>}, {transform_indices = @transform_5, window_bounds = array<i64: 1, 768, 1024>}, {pipeline_mode = #tpu.pipeline_mode<synchronous>, transform_indices = @transform_6, window_bounds = array<i64: 1, 1>}, {pipeline_mode = #tpu.pipeline_mode<synchronous>, transform_indices = @transform_7, window_bounds = array<i64: 1, 1>}]} {
    %eq3A = arith.constant 0 : i32
    %eq3A_0 = arith.cmpi eq, %arg0, %eq3A : i32
    %convert_element_type3A = arith.extui %eq3A_0 : i1 to i32
    %cond3A = arith.constant 0 : i32
    %cond3A_1 = arith.cmpi ne, %convert_element_type3A, %cond3A : i32
    scf.if %cond3A_1 {
      %broadcast_in_dim3A = arith.constant 0.000000e+00 : f32
      %broadcast_in_dim3A_76 = vector.broadcast %broadcast_in_dim3A : f32 to vector<128x64xf32>
      %swap3A_77 = arith.constant 0 : index
      %swap3A_78 = arith.constant 0 : index
      %swap3A_79 = vector.load %arg9[%swap3A_77, %swap3A_78] : memref<128x64xf32, #tpu.memory_space<vmem>>, vector<128x64xf32>
      tpu.vector_store %arg9[%swap3A_77, %swap3A_78], %broadcast_in_dim3A_76 {strides = array<i32>} : memref<128x64xf32, #tpu.memory_space<vmem>>, vector<128x64xf32>,
      %broadcast_in_dim3A_80 = arith.constant 0.000000e+00 : f32
      %broadcast_in_dim3A_81 = vector.broadcast %broadcast_in_dim3A_80 : f32 to vector<1x1xf32>
      %swap3A_82 = arith.constant 0 : index
      %swap3A_83 = arith.constant 0 : index
      %swap3A_84 = vector.load %arg10[%swap3A_82, %swap3A_83] : memref<1x1xf32, #tpu.memory_space<vmem>>, vector<1x1xf32>
      tpu.vector_store %arg10[%swap3A_82, %swap3A_83], %broadcast_in_dim3A_81 {strides = array<i32>} : memref<1x1xf32, #tpu.memory_space<vmem>>, vector<1x1xf32>,
    } else {
    }
    %get3A = arith.constant 0 : index
    %get3A_2 = arith.constant 0 : index
    %get3A_3 = arith.constant 0 : index
    %get3A_4 = vector.load %arg3[%get3A, %get3A_2, %get3A_3] : memref<1x1024x256xf32, #tpu.memory_space<vmem>>, vector<1x1024x256xf32>
    %get3A_5 = vector.shape_cast %get3A_4 : vector<1x1024x256xf32> to vector<1024x256xf32>
    %get3A_6 = arith.constant 0 : index
    %get3A_7 = arith.constant 0 : index
    %get3A_8 = vector.load %arg4[%get3A_6, %get3A_7] : memref<768x256xf32, #tpu.memory_space<vmem>>, vector<768x256xf32>
    %convert_element_type3A_9 = arith.truncf %get3A_8 : vector<768x256xf32> to vector<768x256xbf16>
    %convert_element_type3A_10 = arith.truncf %get3A_5 : vector<1024x256xf32> to vector<1024x256xbf16>
    %dot_general3A = arith.constant dense<0.000000e+00> : vector<768x1024xf32>
    %dot_general3A_11 = tpu.matmul %convert_element_type3A_9, %convert_element_type3A_10, %dot_general3A {dimension_numbers = #tpu.dot_dimension_numbers<[1], [1], [0], [0], [0, 0, 1, 0], [], []>, transpose_lhs_hint = false} : vector<768x256xbf16>, vector<1024x256xbf16>, vector<768x1024xf32> -> vector<768x1024xf32>
    %get3A_12 = arith.constant 0 : index
    %get3A_13 = arith.constant 0 : index
    %get3A_14 = vector.load %arg5[%get3A_12, %get3A_13] : memref<768x1xf32, #tpu.memory_space<vmem>>, vector<768x1xf32>
    %add3A = vector.broadcast %get3A_14 : vector<768x1xf32> to vector<768x1024xf32>
    %add3A_15 = arith.addf %dot_general3A_11, %add3A : vector<768x1024xf32>
    %swap3A = arith.constant 0 : index
    %swap3A_16 = arith.constant 0 : index
    %swap3A_17 = arith.constant 0 : index
    %swap3A_18 = vector.load %arg6[%swap3A, %swap3A_16, %swap3A_17] : memref<1x768x1024xf32, #tpu.memory_space<vmem>>, vector<1x768x1024xf32>
    %swap3A_19 = vector.shape_cast %swap3A_18 : vector<1x768x1024xf32> to vector<768x1024xf32>
    %swap3A_20 = vector.shape_cast %add3A_15 : vector<768x1024xf32> to vector<1x768x1024xf32>
    tpu.vector_store %arg6[%swap3A, %swap3A_16, %swap3A_17], %swap3A_20 {strides = array<i32>} : memref<1x768x1024xf32, #tpu.memory_space<vmem>>, vector<1x768x1024xf32>,
    %get3A_21 = arith.constant 0 : index
    %get3A_22 = arith.constant 0 : index
    %get3A_23 = arith.constant 0 : index
    %get3A_24 = vector.load %arg2[%get3A_21, %get3A_22, %get3A_23] : memref<1x1024x256xf32, #tpu.memory_space<vmem>>, vector<1x1024x256xf32>
    %get3A_25 = vector.shape_cast %get3A_24 : vector<1x1024x256xf32> to vector<1024x256xf32>
    %sub3A = arith.subf %get3A_5, %get3A_25 : vector<1024x256xf32>
    %get3A_26 = arith.constant 0 : index
    %get3A_27 = arith.constant 0 : index
    %get3A_28 = vector.load %arg10[%get3A_26, %get3A_27] : memref<1x1xf32, #tpu.memory_space<vmem>>, vector<1x1xf32>
    %mul3A = arith.mulf %sub3A, %sub3A : vector<1024x256xf32>
    %reduce_sum3A = vector.shape_cast %mul3A : vector<1024x256xf32> to vector<1x1024x256xf32>
    %reduce_sum3A_29 = arith.constant dense<0.000000e+00> : vector<1xf32>
    %reduce_sum3A_30 = vector.multi_reduction <add>, %reduce_sum3A, %reduce_sum3A_29 [1, 2] : vector<1x1024x256xf32> to vector<1xf32>
    %reduce_sum3A_31 = vector.shape_cast %reduce_sum3A_30 : vector<1xf32> to vector<1x1x1xf32>
    %reduce_sum3A_32 = vector.extract %reduce_sum3A_31[0, 0, 0] : f32 from vector<1x1x1xf32>
    %reshape3A = vector.broadcast %reduce_sum3A_32 : f32 to vector<1x1xf32>
    %add3A_33 = arith.addf %get3A_28, %reshape3A : vector<1x1xf32>
    %swap3A_34 = arith.constant 0 : index
    %swap3A_35 = arith.constant 0 : index
    %swap3A_36 = vector.load %arg10[%swap3A_34, %swap3A_35] : memref<1x1xf32, #tpu.memory_space<vmem>>, vector<1x1xf32>
    tpu.vector_store %arg10[%swap3A_34, %swap3A_35], %add3A_33 {strides = array<i32>} : memref<1x1xf32, #tpu.memory_space<vmem>>, vector<1x1xf32>,
    %get3A_37 = arith.constant 0 : index
    %get3A_38 = arith.constant 0 : index
    %get3A_39 = arith.constant 0 : index
    %get3A_40 = vector.load %arg1[%get3A_37, %get3A_38, %get3A_39] : memref<1x1024x1xi32, #tpu.memory_space<vmem>>, vector<1x1024x1xi32>
    %get3A_41 = vector.shape_cast %get3A_40 : vector<1x1024x1xi32> to vector<1024x1xi32>
    %shift_right_logical3A = arith.constant 6 : i32
    %shift_right_logical3A_42 = vector.broadcast %shift_right_logical3A : i32 to vector<1024x1xi32>
    %shift_right_logical3A_43 = arith.shrui %get3A_41, %shift_right_logical3A_42 : vector<1024x1xi32>
    %get3A_44 = arith.constant 0 : index
    %get3A_45 = arith.constant 0 : index
    %get3A_46 = arith.constant 0 : index
    %get3A_47 = vector.load %arg1[%get3A_44, %get3A_45, %get3A_46] : memref<1x1024x1xi32, #tpu.memory_space<vmem>>, vector<1x1024x1xi32>
    %get3A_48 = vector.shape_cast %get3A_47 : vector<1x1024x1xi32> to vector<1024x1xi32>
    %and3A = arith.constant 63 : i32
    %and3A_49 = vector.broadcast %and3A : i32 to vector<1024x1xi32>
    %and3A_50 = arith.andi %get3A_48, %and3A_49 : vector<1024x1xi32>
    %iota3A = tpu.iota {dimensions = array<i32: 1>} : vector<1x128xi32>
    %eq3A_51 = vector.broadcast %shift_right_logical3A_43 : vector<1024x1xi32> to vector<1024x128xi32>
    %eq3A_52 = vector.broadcast %iota3A : vector<1x128xi32> to vector<1024x128xi32>
    %eq3A_53 = arith.cmpi eq, %eq3A_51, %eq3A_52 : vector<1024x128xi32>
    %convert_element_type3A_54 = arith.extui %eq3A_53 : vector<1024x128xi1> to vector<1024x128xi32>
    %convert_element_type3A_55 = arith.sitofp %convert_element_type3A_54 : vector<1024x128xi32> to vector<1024x128xf32>
    %iota3A_56 = tpu.iota {dimensions = array<i32: 1>} : vector<1x64xi32>
    %eq3A_57 = vector.broadcast %and3A_50 : vector<1024x1xi32> to vector<1024x64xi32>
    %eq3A_58 = vector.broadcast %iota3A_56 : vector<1x64xi32> to vector<1024x64xi32>
    %eq3A_59 = arith.cmpi eq, %eq3A_57, %eq3A_58 : vector<1024x64xi32>
    %convert_element_type3A_60 = arith.extui %eq3A_59 : vector<1024x64xi1> to vector<1024x64xi32>
    %convert_element_type3A_61 = arith.sitofp %convert_element_type3A_60 : vector<1024x64xi32> to vector<1024x64xf32>
    %get3A_62 = arith.constant 0 : index
    %get3A_63 = arith.constant 0 : index
    %get3A_64 = vector.load %arg9[%get3A_62, %get3A_63] : memref<128x64xf32, #tpu.memory_space<vmem>>, vector<128x64xf32>
    %dot_general3A_65 = arith.constant dense<0.000000e+00> : vector<128x64xf32>
    %dot_general3A_66 = tpu.matmul %convert_element_type3A_55, %convert_element_type3A_61, %dot_general3A_65 {dimension_numbers = #tpu.dot_dimension_numbers<[0], [0], [1], [1], [0, 1, 1, 1], [], []>, precision = #tpu.contract_precision<fp32>, transpose_lhs_hint = false} : vector<1024x128xf32>, vector<1024x64xf32>, vector<128x64xf32> -> vector<128x64xf32>
    %add3A_67 = arith.addf %get3A_64, %dot_general3A_66 : vector<128x64xf32>
    %swap3A_68 = arith.constant 0 : index
    %swap3A_69 = arith.constant 0 : index
    %swap3A_70 = vector.load %arg9[%swap3A_68, %swap3A_69] : memref<128x64xf32, #tpu.memory_space<vmem>>, vector<128x64xf32>
    tpu.vector_store %arg9[%swap3A_68, %swap3A_69], %add3A_67 {strides = array<i32>} : memref<128x64xf32, #tpu.memory_space<vmem>>, vector<128x64xf32>,
    %eq3A_71 = arith.constant 7 : i32
    %eq3A_72 = arith.cmpi eq, %arg0, %eq3A_71 : i32
    %convert_element_type3A_73 = arith.extui %eq3A_72 : i1 to i32
    %cond3A_74 = arith.constant 0 : i32
    %cond3A_75 = arith.cmpi ne, %convert_element_type3A_73, %cond3A_74 : i32
    scf.if %cond3A_75 {
      %get3A_76 = arith.constant 0 : index
      %get3A_77 = arith.constant 0 : index
      %get3A_78 = vector.load %arg9[%get3A_76, %get3A_77] : memref<128x64xf32, #tpu.memory_space<vmem>>, vector<128x64xf32>
      %mul3A_79 = arith.constant 1.22070313E-4 : f32
      %mul3A_80 = vector.broadcast %mul3A_79 : f32 to vector<128x64xf32>
      %mul3A_81 = arith.mulf %get3A_78, %mul3A_80 : vector<128x64xf32>
      %add3A_82 = arith.constant 1.000000e-10 : f32
      %add3A_83 = vector.broadcast %add3A_82 : f32 to vector<128x64xf32>
      %add3A_84 = arith.addf %mul3A_81, %add3A_83 : vector<128x64xf32>
      %log3A = math.log %add3A_84 : vector<128x64xf32>
      %mul3A_85 = arith.mulf %mul3A_81, %log3A : vector<128x64xf32>
      %reduce_sum3A_86 = vector.shape_cast %mul3A_85 : vector<128x64xf32> to vector<1x128x64xf32>
      %reduce_sum3A_87 = arith.constant dense<0.000000e+00> : vector<1xf32>
      %reduce_sum3A_88 = vector.multi_reduction <add>, %reduce_sum3A_86, %reduce_sum3A_87 [1, 2] : vector<1x128x64xf32> to vector<1xf32>
      %reduce_sum3A_89 = vector.shape_cast %reduce_sum3A_88 : vector<1xf32> to vector<1x1x1xf32>
      %reduce_sum3A_90 = vector.extract %reduce_sum3A_89[0, 0, 0] : f32 from vector<1x1x1xf32>
      %neg3A = arith.constant 0.000000e+00 : f32
      %neg3A_91 = arith.subf %neg3A, %reduce_sum3A_90 : f32
      %exp3A = math.exp %neg3A_91 : f32
      %reshape3A_92 = vector.broadcast %exp3A : f32 to vector<1x1xf32>
      %swap3A_93 = arith.constant 0 : index
      %swap3A_94 = arith.constant 0 : index
      %swap3A_95 = vector.load %arg8[%swap3A_93, %swap3A_94] : memref<1x1xf32, #tpu.memory_space<vmem>>, vector<1x1xf32>
      tpu.vector_store %arg8[%swap3A_93, %swap3A_94], %reshape3A_92 {strides = array<i32>} : memref<1x1xf32, #tpu.memory_space<vmem>>, vector<1x1xf32>,
      %get3A_96 = arith.constant 0 : index
      %get3A_97 = arith.constant 0 : index
      %get3A_98 = vector.load %arg10[%get3A_96, %get3A_97] : memref<1x1xf32, #tpu.memory_space<vmem>>, vector<1x1xf32>
      %mul3A_99 = arith.constant 5.96046448E-7 : f32
      %mul3A_100 = vector.broadcast %mul3A_99 : f32 to vector<1x1xf32>
      %mul3A_101 = arith.mulf %get3A_98, %mul3A_100 : vector<1x1xf32>
      %swap3A_102 = arith.constant 0 : index
      %swap3A_103 = arith.constant 0 : index
      %swap3A_104 = vector.load %arg7[%swap3A_102, %swap3A_103] : memref<1x1xf32, #tpu.memory_space<vmem>>, vector<1x1xf32>
      tpu.vector_store %arg7[%swap3A_102, %swap3A_103], %mul3A_101 {strides = array<i32>} : memref<1x1xf32, #tpu.memory_space<vmem>>, vector<1x1xf32>,
    } else {
    }
    return
  }
  func.func @transform_0(%arg0: i32) -> (i32, i32, i32) {
    %c0_i32 = arith.constant 0 : i32
    %c0_i32_0 = arith.constant 0 : i32
    %c0_i32_1 = arith.constant 0 : i32
    return %arg0, %c0_i32, %c0_i32_0 : i32, i32, i32
  }
  func.func @transform_1(%arg0: i32) -> (i32, i32, i32) {
    %c0_i32 = arith.constant 0 : i32
    %c0_i32_0 = arith.constant 0 : i32
    %c0_i32_1 = arith.constant 0 : i32
    return %arg0, %c0_i32, %c0_i32_0 : i32, i32, i32
  }
  func.func @transform_2(%arg0: i32) -> (i32, i32, i32) {
    %c0_i32 = arith.constant 0 : i32
    %c0_i32_0 = arith.constant 0 : i32
    %c0_i32_1 = arith.constant 0 : i32
    return %arg0, %c0_i32, %c0_i32_0 : i32, i32, i32
  }
  func.func @transform_3(%arg0: i32) -> (i32, i32) {
    %c0_i32 = arith.constant 0 : i32
    %c0_i32_0 = arith.constant 0 : i32
    %c0_i32_1 = arith.constant 0 : i32
    return %c0_i32, %c0_i32_0 : i32, i32
  }
  func.func @transform_4(%arg0: i32) -> (i32, i32) {
    %c0_i32 = arith.constant 0 : i32
    %c0_i32_0 = arith.constant 0 : i32
    %c0_i32_1 = arith.constant 0 : i32
    return %c0_i32, %c0_i32_0 : i32, i32
  }
  func.func @transform_5(%arg0: i32) -> (i32, i32, i32) {
    %c0_i32 = arith.constant 0 : i32
    %c0_i32_0 = arith.constant 0 : i32
    %c0_i32_1 = arith.constant 0 : i32
    return %arg0, %c0_i32, %c0_i32_0 : i32, i32, i32
  }
  func.func @transform_6(%arg0: i32) -> (i32, i32) {
    %c0_i32 = arith.constant 0 : i32
    %c0_i32_0 = arith.constant 0 : i32
    %c0_i32_1 = arith.constant 0 : i32
    return %c0_i32, %c0_i32_0 : i32, i32
  }
  func.func @transform_7(%arg0: i32) -> (i32, i32) {
    %c0_i32 = arith.constant 0 : i32
    %c0_i32_0 = arith.constant 0 : i32
    %c0_i32_1 = arith.constant 0 : i32
    return %c0_i32, %c0_i32_0 : i32, i32
  }
}

</mosaic_0001>

<sc_bundles>
// kernel: kernel.4.cloned.1.call-start
scs
__scs_entry_jumppad:
0x0: {  	(pc) =	sbr.rel $0x88, $3  }
0x1: {  	(tag) =	ssettag $0x0;
	lr =	simm.s32 $0x1  }
0x2: {  	[smem:$0x3F9B] =	sst lr;
	_ =	strace $0xD0000000  }
0x3: {  	_ = 	snop  }
0x4: {  	_ = 	snop  }
0x5: {  	_ = 	snop  }
0x6: {  	_ = 	snop  }
0x7: {  	_ = 	snop  }
__scs_overlays_trampoline_lowered:
0x8: {  	[smem:$0x3FAA] =	sst s0  }
0x9: {  	[smem:$0x3FAB] =	sst s1  }
0xa: {  	[smem:$0x3FAC] =	sst s2  }
0xb: {  	[smem:$0x3FAD] =	sst s3  }
0xc: {  	[smem:$0x3FAE] =	sst s4  }
0xd: {  	[smem:$0x3FAF] =	sst s5  }
0xe: {  	[smem:$0x3FB0] =	sst s6  }
0xf: {  	[smem:$0x3FB1] =	sst s7  }
0x10: {  	[smem:$0x3FB2] =	sst s8  }
0x11: {  	[smem:$0x3FB3] =	sst s9;
	s0 =	simm.s32 @!p0 $0x0  }
0x12: {  	s1 =	sld [smem:$0x3F99];
	s0 =	simm.s32 @p0 $0x1  }
0x13: {  	[smem:$0x3FB4] =	sst s0;
	s0 =	simm.s32 @!p1 $0x0  }
0x14: {  	s2 =	sld [smem:$0x3F98];
	s0 =	simm.s32 @p1 $0x1  }
0x15: {  	[smem:$0x3FB5] =	sst s0;
	s0 =	simm.s32 @!p2 $0x0  }
0x16: {  	s3 =	sld [smem:$0x3FDB];
	s0 =	simm.s32 @p2 $0x1  }
0x17: {  	s4 =	simm.s32 $0x1BF5;
	[smem:$0x3FB7] =	sst s0  }
0x18: {  	s0 =	sld [smem:$0x3F9A];
	_ =	swait.ge [sflag:s4], $0x0  }
0x19: {  	s7 =	sld [smem:$0x3F9B]  }
0x1a: {  	s8 =	sadd.s32 $0xFFFFE003, lr  }
0x1b: {  	s9 =	sadd.s32 $0xFFFFFEF7, lr;
	s5 =	simm.s32 $0xFFFFFFFF;
	p2 =	slt.u32 s8, $0xFFFFF086  }
0x1c: {  	p1 =	slt.u32 s9, $0xF7A;
	s5 =	simm.s32 @!p2 $0x0  }
0x1d: {  	s5 =	simm.s32 @p1 $0x1;
	p0 =	seq.s32 s7, s2  }
0x1e: {  	s7 =	smul.u32 @!p0 $0xF7A, s2;
	p2 =	seq.s32 @!p0 s5, $0x0  }
0x1f: {  	s9 =	smul.u32 $0xF7A, s1;
	s8 =	simm.s32 @!p0 $0x1BF5;
	p2 =	por !p2, p0  }
0x20: {  	[sflag:s8] =	ssyncset.s32 @!p0 $0xFFFFF086;
	s6 =	sadd.s32 @!p0 s3, s7;
	s7 =	simm.s32 @!p0 $0x108  }
0x21: {  	s3 =	sadd.s32 s3, s9;
	s6 =	sadd.s32 @!p0 $0x88, s6;
	s7 =	simm.s32 @p2 $0x1082  }
0x22: {  	[simem:s7], [sflag:s8] =	dma.local @!p0 [hbm:s6], $0xF7A  }
0x23: {  	s9 =	sor.u32 $0xD0000000, s2;
	s6 =	simm.s32 $0x108;
	_ =	swait.ge @!p0 [sflag:s8], $0x0  }
0x24: {  	s3 =	sadd.s32 $0x88, s3;
	s6 =	simm.s32 @!p1 $0x1082;
	[sflag:s4] =	ssyncset.s32 $0xFFFFF086  }
0x25: {  	[simem:s6], [sflag:s4] =	dma.local [hbm:s3], $0xF7A  }
0x26: {  	[smem:$0x3F9B] =	sst s1;
	(tag) =	ssettag s2;
	_ =	strace s9  }
0x27: {  	s1 =	sld [smem:$0x3FAB]  }
0x28: {  	s2 =	sld [smem:$0x3FAC]  }
0x29: {  	s4 =	sld [smem:$0x3FAE]  }
0x2a: {  	p0 =	seq.s32 s5, $0x0;
	s5 =	sld [smem:$0x3FAF]  }
0x2b: {  	s6 =	sld [smem:$0x3FB0]  }
0x2c: {  	s7 =	sld [smem:$0x3FB1]  }
0x2d: {  	s3 =	simm.s32 $0x108;
	s8 =	sld [smem:$0x3FB2]  }
0x2e: {  	s3 =	simm.s32 @!p0 $0x1082;
	s9 =	sld [smem:$0x3FB3]  }
0x2f: {  	lr =	sadd.s32 s0, s3;
	s0 =	sld [smem:$0x3FAA]  }
0x30: {  	s3 =	sld [smem:$0x3FAD]  }
0x31: {  	[smem:$0x3FB6] =	sst s10  }
0x32: {  	s10 =	sld [smem:$0x3FB4];
	_ =	sdelay $0x3  }
0x33: {  	p0 =	seq.s32 s10, $0x1;
	s10 =	sld [smem:$0x3FB6];
	_ =	sdelay $0x3  }
0x34: {  	[smem:$0x3FB6] =	sst s10  }
0x35: {  	s10 =	sld [smem:$0x3FB5];
	_ =	sdelay $0x3  }
0x36: {  	p1 =	seq.s32 s10, $0x1;
	s10 =	sld [smem:$0x3FB6];
	_ =	sdelay $0x3  }
0x37: {  	[smem:$0x3FB6] =	sst s10  }
0x38: {  	s10 =	sld [smem:$0x3FB7]  }
0x39: {  	_ = 	snop;
	(pc) =	sbr.ind lr, $3  }
0x3a: {  	_ = 	snop  }
0x3b: {  	_ = 	snop  }
0x3c: {  	p2 =	seq.s32 s10, $0x1;
	s10 =	sld [smem:$0x3FB6]  }
0x3d: {  	_ =	shalt  }
0x3e: {  	_ =	shalt  }
0x3f: {  	_ =	shalt  }
0x40: {  	_ =	shalt  }
0x41: {  	_ =	shalt  }
0x42: {  	_ =	shalt  }
0x43: {  	_ =	shalt  }
0x44: {  	_ =	shalt  }
0x45: {  	_ =	shalt  }
0x46: {  	_ =	shalt  }
0x47: {  	_ =	shalt  }
0x48: {  	_ =	shalt  }
0x49: {  	_ =	shalt  }
0x4a: {  	_ =	shalt  }
0x4b: {  	_ =	shalt  }
0x4c: {  	_ =	shalt  }
0x4d: {  	_ =	shalt  }
0x4e: {  	_ =	shalt  }
0x4f: {  	_ =	shalt  }
0x50: {  	_ =	shalt  }
0x51: {  	_ =	shalt  }
0x52: {  	_ =	shalt  }
0x53: {  	_ =	shalt  }
0x54: {  	_ =	shalt  }
0x55: {  	_ =	shalt  }
0x56: {  	_ =	shalt  }
0x57: {  	_ =	shalt  }
0x58: {  	_ =	shalt  }
0x59: {  	_ =	shalt  }
0x5a: {  	_ =	shalt  }
0x5b: {  	_ =	shalt  }
0x5c: {  	_ =	shalt  }
0x5d: {  	_ =	shalt  }
0x5e: {  	_ =	shalt  }
0x5f: {  	_ =	shalt  }
0x60: {  	_ =	shalt  }
0x61: {  	_ =	shalt  }
0x62: {  	_ =	shalt  }
0x63: {  	_ =	shalt  }
0x64: {  	_ =	shalt  }
0x65: {  	_ =	shalt  }
0x66: {  	_ =	shalt  }
0x67: {  	_ =	shalt  }
0x68: {  	_ =	shalt  }
0x69: {  	_ =	shalt  }
0x6a: {  	_ =	shalt  }
0x6b: {  	_ =	shalt  }
0x6c: {  	_ =	shalt  }
0x6d: {  	_ =	shalt  }
0x6e: {  	_ =	shalt  }
0x6f: {  	_ =	shalt  }
0x70: {  	_ =	shalt  }
0x71: {  	_ =	shalt  }
0x72: {  	_ =	shalt  }
0x73: {  	_ =	shalt  }
0x74: {  	_ =	shalt  }
0x75: {  	_ =	shalt  }
0x76: {  	_ =	shalt  }
0x77: {  	_ =	shalt  }
0x78: {  	_ =	shalt  }
0x79: {  	_ =	shalt  }
0x7a: {  	_ =	shalt  }
0x7b: {  	_ =	shalt  }
0x7c: {  	_ =	shalt  }
0x7d: {  	_ =	shalt  }
0x7e: {  	_ =	shalt  }
0x7f: {  	_ =	shalt  }
0x80: {  	_ =	shalt  }
0x81: {  	_ =	shalt  }
0x82: {  	_ =	shalt  }
0x83: {  	_ =	shalt  }
0x84: {  	_ =	shalt  }
0x85: {  	_ =	shalt  }
0x86: {  	_ =	shalt  }
0x87: {  	_ =	shalt  }
.Lfunc_end0:
.L_simem_size_0:
called_computation_lowered:
.L_overlay_start_0:
0x88: {  	s2 =	sld [smem:$0x3FD9]  }
0x89: {  	s3 =	sld [smem:$0x3FFE];
	_ =	sdelay $0x1  }
0x8a: {  	s1 =	srdreg.scid  }
0x8b: {  	s0 =	sand.u32 $0x1, s1  }
0x8c: {  	s17 =	sshll.u32 s0, $0xA;
	s2 =	sadd.s32 s3, s2  }
0x8d: {  	s2 =	sadd.s32 s2, s17  }
0x8e: {  	[smem:$0x3FC2] =	sst s2  }
0x8f: {  	_ = 	snop  }
0x90: {  	s2 =	sld [smem:$0x3FC6];
	(tm) =	ssettm $0x1  }
0x91: {  	s18 =	sld [smem:$0x3FFB];
	_ =	sdelay $0x3  }
0x92: {  	_ =	strace s18  }
0x93: {  	s3 =	sld [smem:$0x3FFC];
	_ =	sdelay $0x3  }
0x94: {  	_ =	strace s3  }
0x95: {  	s3 =	sld [smem:$0x3FFD];
	_ =	sdelay $0x3  }
0x96: {  	_ =	strace s3  }
0x97: {  	_ =	strace $0x8FFFFFFF  }
0x98: {  	s19 =	sld [smem:$0x3FDB];
	_ =	sdelay $0x1  }
0x99: {  	s4 =	simm.s32 $_scs_section_size  }
0x9a: {  	s5 =	simm.s32 $_size__tile_overlayer_lowered;
	s6 =	simm.s32 $_tile_overlayer_lowered  }
0x9b: {  	s22 =	simm.s32 $0x1BFF;
	s21 =	sshll.u32 s6, $0x1;
	s3 =	sadd.s32 s4, s19  }
0x9c: {  	s7 =	simm.s32 $0x0;
	s20 =	sshll.u32 s5, $0x1;
	s5 =	sadd.s32 s21, s3  }
0x9d: {  	[timem:s7], [sflag:s22] =	dma.local [hbm:s5], s20  }
0x9e: {  	_ =	swait.ge [sflag:s22], s20  }
0x9f: {  	s4 =	ssub.s32 $0x0, s20;
	[sflag:s22] =	ssyncset.done $0x0  }
0xa0: {  	[sflag:s22] =	ssyncadd.s32 s4;
	_ =	sdelay $0x1  }
0xa1: {  	s23 =	simm.s32 $0x1B8B  }
0xa2: {  	_ =	swait.ge [sflag:s23], $0x1  }
0xa3: {  	[sflag:s23] =	ssyncset.done $0x0  }
0xa4: {  	s25 =	simm.s32 $0x1B8E;
	s24 =	sld [smem:$0x3FFE];
	[sflag:s23] =	ssyncadd.s32 $0xFFFFFFFF  }
0xa5: {  	s26 =	simm.s32 $execute0_lowered;
	[smem:$0x3FD2] =	sst s25  }
0xa6: {  	s5 =	sshll.u32 s26, $0x1;
	_ =	strace $0x80000046;
	[dreg:$0x1] =	wrdreg $0xFFFFFFFF  }
0xa7: {  	s28 =	simm.s32 $_size_execute0_lowered;
	s3 =	sadd.s32 s3, s5;
	[dreg:$0x0] =	wrdreg $0x0  }
0xa8: {  	s5 =	sshll.u32 s28, $0x1;
	[dreg:$0x2] =	wrdreg s3  }
0xa9: {  	[dreg:$0x3] =	wrdreg s5  }
0xaa: {  	[dreg:$0x4] =	wrdreg $0xC0  }
0xab: {  	_ =	task [dreg:s7], $0x5FFFF  }
0xac: {  	[dreg:$0x1] =	wrdreg $0xFFFFFFFF  }
0xad: {  	[dreg:$0x0] =	wrdreg $0x60  }
0xae: {  	[dreg:$0x2] =	wrdreg s2  }
0xaf: {  	[dreg:$0x3] =	wrdreg s24  }
0xb0: {  	[dreg:$0x4] =	wrdreg $0x9  }
0xb1: {  	_ =	task.clear_ibuf [dreg:s7], $0x5FFFF;
	_ =	strace $0x90000046  }
0xb2: {  	s29 =	simm.s32 $0x9;
	_ =	strace $0x80000048  }
0xb3: {  	_ =	swait.ge [sflag:s29], $0x1  }
0xb4: {  	[sflag:s29] =	ssyncadd.s32 $0xFFFFFFFF  }
0xb5: {  	_ =	strace $0x90000048  }
0xb6: {  	_ =	sfence  }
0xb7: {  	s30 =	sld [smem:$0x0];
	_ =	sdelay $0x2  }
0xb8: {  	s31 =	sshll.u32 s1, $0xD;
	s1 =	sshrl.u32 s1, $0x2  }
0xb9: {  	s3 =	sand.u32 $0x4000, s31;
	s1 =	sadd.s32 s1, s30  }
0xba: {  	s0 =	sor.u32 s3, s0;
	s1 =	sshll.u32 s1, $0x11  }
0xbb: {  	s0 =	sor.u32 s1, s0  }
0xbc: {  	s0 =	sadd.s32 $0x8F2B, s0  }
0xbd: {  	[sflag:s0] =	ssyncadd.remote.s32 $0x1  }
0xbe: {  	_ =	sfence.sel $0xFFFF  }
0xbf: {  	[dreg:$0x0] =	wrdreg $0xFFFFFFFF;
	(pc) =	sbr.abs _section_cstart, $3  }
0xc0: {  	[dreg:$0x1] =	wrdreg $0xFFFFFFFF  }
0xc1: {  	_ =	task.clear_ibuf [dreg:s7], $0x2FFFF;
	_ =	strace $0x9FFFFFFF  }
0xc2: {  	(tm) =	ssettm $0x7FFFFFFF  }
0xc3: {  	_ =	shalt  }
tec
execute0_lowered:
.L_overlay_start_1:
0x0: {  	(tag) =	ssettag $0x1  }
0x1: {  	s2 =	rddreg [dreg:$0x0]  }
0x2: {  	s0 =	rddreg [dreg:$0x1]  }
0x3: {  	s3 =	srdreg.scid;
	s1 =	stileid.u32  }
0x4: {  	s17 =	simm.s32 $0x80;
	s18 =	simm.s32 $0x900;
	s19 =	simm.s32 $0x1100  }
0x5: {  	s20 =	simm.s32 $0x1900;
	s4 =	sand.u32 $0x1, s3;
	s3 =	simm.s32 $0x0  }
0x6: {  	s21 =	simm.s32 $0x2100;
	s23 =	simm.s32 $0x2900;
	[smem:$0x7FF] =	sst s3  }
0x7: {  	s24 =	simm.s32 $0x3100;
	_ =	strace $0x80000047;
	[dreg:$0x7] =	wrdreg s17  }
0x8: {  	s25 =	simm.s32 $0x3900;
	s26 =	simm.s32 $0x4100;
	[dreg:$0x8] =	wrdreg s18  }
0x9: {  	s10 =	simm.s32 $0x6100;
	s11 =	simm.s32 $0x6900;
	[dreg:$0x9] =	wrdreg s19  }
0xa: {  	s12 =	simm.s32 $0x7100;
	s13 =	simm.s32 $0x7900;
	[dreg:$0xa] =	wrdreg s20  }
0xb: {  	s28 =	simm.s32 $0xE900;
	s29 =	simm.s32 $0xF100;
	[dreg:$0xb] =	wrdreg s21  }
0xc: {  	s30 =	simm.s32 $0xF900;
	s31 =	simm.s32 $0x1;
	[dreg:$0xc] =	wrdreg s23  }
0xd: {  	s5 =	sshll.u32 s1, $0x9;
	s8 =	sadd.s32 $0x400, s0;
	[dreg:$0xd] =	wrdreg s24  }
0xe: {  	s6 =	sshll.u32 s4, $0x8;
	s4 =	ssub.s32 $0x2, s4;
	[dreg:$0xe] =	wrdreg s25  }
0xf: {  	s5 =	sor.u32 s6, s5;
	s22 =	sshrl.u32 s4, $0x1;
	[dreg:$0xf] =	wrdreg s26  }
0x10: {  	s17 =	simm.s32 $0x9900;
	s18 =	simm.s32 $0xA100;
	s19 =	simm.s32 $0xA900  }
0x11: {  	s20 =	simm.s32 $0xB100;
	s21 =	simm.s32 $0xB900;
	s23 =	simm.s32 $0xC900  }
0x12: {  	s24 =	simm.s32 $0xD100;
	s25 =	simm.s32 $0xD900;
	s26 =	simm.s32 $0xE100  }
0x13: {  	s6 =	sshrl.u32 s5, $0x3;
	s7 =	sor.u32 $0x80, s5;
	s5 =	sshll.u32 s5, $0x5  }
0x14: {  	s4 =	ssub.s32 s4, s22;
	s22 =	simm.s32 $0xC100;
	s6 =	sadd.s32 s0, s6  }
0x15: {  	s9 =	sshrl.u32 s7, $0x3;
	s14 =	sadd.s32 s8, s5;
	s15 =	sshll.u32 s7, $0x5  }
0x16: {  	s4 =	smax.u32 s4, $0x1;
	s5 =	simm.s32 $0x3;
	[dreg:$0x3] =	wrdreg s6  }
0x17: {  	s0 =	sadd.s32 s0, s9;
	[dreg:$0x5] =	wrdreg s14;
	s16 =	sadd.s32 s8, s15  }
0x18: {  	v2 =	vlaneseq.u32;
	s6 =	simm.s32 $0x100;
	s8 =	simm.s32 $0x5100;
	s9 =	simm.s32 $0x5900  }
0x19: {  	vm0 =	vmmov $0xffff;
	v1 =	vshrl.u32 v2, $0x3;
	s14 =	simm.s32 $0x8100;
	s15 =	simm.s32 $0x8900;
	[dreg:$0x4] =	wrdreg s0  }
0x1a: {  	v0 =	vand.u32 $0x7, v2;
	v2 =	vor.u32 $0x8, v2;
	v1 =	vmul.u32 $0x8, v1;
	[dreg:$0x6] =	wrdreg s16;
	s16 =	simm.s32 $0x9100;
	s0 =	simm.s32 $0x2  }
.LBB2_1:
0x1b: {  	s1 =	rddreg [dreg:$0x3]  }
0x1c: {  	[tilespmem:s3], [sflag:$0x3] =	stream.linear.gather [hbm4b:s1+s3], $0x80, $0x38;
	[tilespmem:$0x10100] =	vst v63  }
0x1d: {  	_ =	swait.ge [sflag:s5], $0x80  }
0x1e: {  	s1 =	rddreg [dreg:$0x4];
	[sflag:s5] =	ssyncset.done $0x0  }
0x1f: {  	s7 =	rddreg [dreg:$0x7];
	[sflag:s5] =	ssyncadd.s32 $0xFFFFFF80  }
0x20: {  	[tilespmem:s7], [sflag:$0x3] =	stream.linear.gather [hbm4b:s1+s3], $0x80, $0x38;
	[tilespmem:$0x10100] =	vst v63  }
0x21: {  	_ =	swait.ge [sflag:s5], $0x80  }
0x22: {  	[sflag:s5] =	ssyncset.done $0x0  }
0x23: {  	[sflag:s5] =	ssyncadd.s32 $0xFFFFFF80  }
0x24: {  	v3 =	vld [tilespmem:$0x0];
	_ =	sdelay $0x4  }
0x25: {  	v4 =	vshll.u32 v3, $0x1  }
0x26: {  	v3 =	vand.u32 $0x7, v3;
	v4 =	vand.u32 $0xFFFFFFF0, v4  }
0x27: {  	v3 =	vor.u32 v3, v4  }
0x28: {  	v4 =	vperm.xlane v3, v0;
	_ =	sdelay $0x1  }
0x29: {  	v3 =	vperm.xlane v3, v2;
	v4 =	vadd.s32 v1, v4;
	_ =	sdelay $0x1  }
0x2a: {  	v3 =	vadd.s32 v1, v3;
	_ =	sdelay $0x2  }
0x2b: {  	[tilespmem:s6], [sflag:$0x1] =	stream.indirect_vreg.gather [hbm4b:s2+s3], $0x80, v4, vm0, $0xb8;
	[tilespmem:$0x10100] =	vst v63  }
0x2c: {  	s7 =	rddreg [dreg:$0x8]  }
0x2d: {  	[tilespmem:s7], [sflag:$0x1] =	stream.indirect_vreg.gather [hbm4b:s2+s3], $0x80, v3, vm0, $0xb8;
	[tilespmem:$0x10100] =	vst v63  }
0x2e: {  	v3 =	vld [tilespmem:$0x10];
	_ =	sdelay $0x4  }
0x2f: {  	v49 =	vshll.u32 v3, $0x1  }
0x30: {  	v3 =	vand.u32 $0x7, v3;
	v4 =	vand.u32 $0xFFFFFFF0, v49  }
0x31: {  	v3 =	vor.u32 v3, v4  }
0x32: {  	v4 =	vperm.xlane v3, v0;
	_ =	sdelay $0x1  }
0x33: {  	v3 =	vperm.xlane v3, v2;
	v4 =	vadd.s32 v1, v4;
	_ =	sdelay $0x1  }
0x34: {  	v3 =	vadd.s32 v1, v3;
	_ =	sdelay $0x1  }
0x35: {  	s1 =	rddreg [dreg:$0x9]  }
0x36: {  	[tilespmem:s1], [sflag:$0x1] =	stream.indirect_vreg.gather [hbm4b:s2+s3], $0x80, v4, vm0, $0xb8;
	[tilespmem:$0x10100] =	vst v63  }
0x37: {  	s7 =	rddreg [dreg:$0xa]  }
0x38: {  	[tilespmem:s7], [sflag:$0x1] =	stream.indirect_vreg.gather [hbm4b:s2+s3], $0x80, v3, vm0, $0xb8;
	[tilespmem:$0x10100] =	vst v63  }
0x39: {  	v3 =	vld [tilespmem:$0x20];
	_ =	sdelay $0x4  }
0x3a: {  	v50 =	vshll.u32 v3, $0x1  }
0x3b: {  	v3 =	vand.u32 $0x7, v3;
	v4 =	vand.u32 $0xFFFFFFF0, v50  }
0x3c: {  	v3 =	vor.u32 v3, v4  }
0x3d: {  	v4 =	vperm.xlane v3, v0;
	_ =	sdelay $0x1  }
0x3e: {  	v3 =	vperm.xlane v3, v2;
	v4 =	vadd.s32 v1, v4;
	_ =	sdelay $0x1  }
0x3f: {  	v3 =	vadd.s32 v1, v3;
	_ =	sdelay $0x1  }
0x40: {  	s1 =	rddreg [dreg:$0xb]  }
0x41: {  	[tilespmem:s1], [sflag:$0x1] =	stream.indirect_vreg.gather [hbm4b:s2+s3], $0x80, v4, vm0, $0xb8;
	[tilespmem:$0x10100] =	vst v63  }
0x42: {  	s7 =	rddreg [dreg:$0xc]  }
0x43: {  	[tilespmem:s7], [sflag:$0x1] =	stream.indirect_vreg.gather [hbm4b:s2+s3], $0x80, v3, vm0, $0xb8;
	[tilespmem:$0x10100] =	vst v63  }
0x44: {  	v3 =	vld [tilespmem:$0x30];
	_ =	sdelay $0x4  }
0x45: {  	v51 =	vshll.u32 v3, $0x1  }
0x46: {  	v3 =	vand.u32 $0x7, v3;
	v4 =	vand.u32 $0xFFFFFFF0, v51  }
0x47: {  	v3 =	vor.u32 v3, v4  }
0x48: {  	v4 =	vperm.xlane v3, v0;
	_ =	sdelay $0x1  }
0x49: {  	v3 =	vperm.xlane v3, v2;
	v4 =	vadd.s32 v1, v4;
	_ =	sdelay $0x1  }
0x4a: {  	v3 =	vadd.s32 v1, v3;
	_ =	sdelay $0x1  }
0x4b: {  	s1 =	rddreg [dreg:$0xd]  }
0x4c: {  	[tilespmem:s1], [sflag:$0x1] =	stream.indirect_vreg.gather [hbm4b:s2+s3], $0x80, v4, vm0, $0xb8;
	[tilespmem:$0x10100] =	vst v63  }
0x4d: {  	s7 =	rddreg [dreg:$0xe]  }
0x4e: {  	[tilespmem:s7], [sflag:$0x1] =	stream.indirect_vreg.gather [hbm4b:s2+s3], $0x80, v3, vm0, $0xb8;
	[tilespmem:$0x10100] =	vst v63  }
0x4f: {  	v3 =	vld [tilespmem:$0x40];
	_ =	sdelay $0x4  }
0x50: {  	v52 =	vshll.u32 v3, $0x1  }
0x51: {  	v3 =	vand.u32 $0x7, v3;
	v4 =	vand.u32 $0xFFFFFFF0, v52  }
0x52: {  	v3 =	vor.u32 v3, v4  }
0x53: {  	v4 =	vperm.xlane v3, v0;
	_ =	sdelay $0x1  }
0x54: {  	v3 =	vperm.xlane v3, v2;
	v4 =	vadd.s32 v1, v4;
	_ =	sdelay $0x1  }
0x55: {  	v3 =	vadd.s32 v1, v3;
	_ =	sdelay $0x1  }
0x56: {  	s7 =	rddreg [dreg:$0xf]  }
0x57: {  	[tilespmem:s7], [sflag:$0x1] =	stream.indirect_vreg.gather [hbm4b:s2+s3], $0x80, v4, vm0, $0xb8;
	[tilespmem:$0x10100] =	vst v63  }
0x58: {  	s7 =	simm.s32 $0x4900  }
0x59: {  	[tilespmem:s7], [sflag:$0x1] =	stream.indirect_vreg.gather [hbm4b:s2+s3], $0x80, v3, vm0, $0xb8;
	[tilespmem:$0x10100] =	vst v63  }
0x5a: {  	v3 =	vld [tilespmem:$0x50];
	_ =	sdelay $0x4  }
0x5b: {  	v53 =	vshll.u32 v3, $0x1  }
0x5c: {  	v3 =	vand.u32 $0x7, v3;
	v4 =	vand.u32 $0xFFFFFFF0, v53  }
0x5d: {  	v3 =	vor.u32 v3, v4  }
0x5e: {  	v4 =	vperm.xlane v3, v0;
	_ =	sdelay $0x1  }
0x5f: {  	v3 =	vperm.xlane v3, v2;
	v4 =	vadd.s32 v1, v4;
	_ =	sdelay $0x1  }
0x60: {  	v3 =	vadd.s32 v1, v3;
	_ =	sdelay $0x2  }
0x61: {  	[tilespmem:s8], [sflag:$0x1] =	stream.indirect_vreg.gather [hbm4b:s2+s3], $0x80, v4, vm0, $0xb8;
	[tilespmem:$0x10100] =	vst v63  }
0x62: {  	_ = 	snop  }
0x63: {  	[tilespmem:s9], [sflag:$0x1] =	stream.indirect_vreg.gather [hbm4b:s2+s3], $0x80, v3, vm0, $0xb8;
	[tilespmem:$0x10100] =	vst v63  }
0x64: {  	v3 =	vld [tilespmem:$0x60];
	_ =	sdelay $0x4  }
0x65: {  	v54 =	vshll.u32 v3, $0x1  }
0x66: {  	v3 =	vand.u32 $0x7, v3;
	v4 =	vand.u32 $0xFFFFFFF0, v54  }
0x67: {  	v3 =	vor.u32 v3, v4  }
0x68: {  	v4 =	vperm.xlane v3, v0;
	_ =	sdelay $0x1  }
0x69: {  	v3 =	vperm.xlane v3, v2;
	v4 =	vadd.s32 v1, v4;
	_ =	sdelay $0x1  }
0x6a: {  	v3 =	vadd.s32 v1, v3;
	_ =	sdelay $0x2  }
0x6b: {  	[tilespmem:s10], [sflag:$0x1] =	stream.indirect_vreg.gather [hbm4b:s2+s3], $0x80, v4, vm0, $0xb8;
	[tilespmem:$0x10100] =	vst v63  }
0x6c: {  	_ = 	snop  }
0x6d: {  	[tilespmem:s11], [sflag:$0x1] =	stream.indirect_vreg.gather [hbm4b:s2+s3], $0x80, v3, vm0, $0xb8;
	[tilespmem:$0x10100] =	vst v63  }
0x6e: {  	v3 =	vld [tilespmem:$0x70];
	_ =	sdelay $0x4  }
0x6f: {  	v55 =	vshll.u32 v3, $0x1  }
0x70: {  	v3 =	vand.u32 $0x7, v3;
	v4 =	vand.u32 $0xFFFFFFF0, v55  }
0x71: {  	v3 =	vor.u32 v3, v4  }
0x72: {  	v4 =	vperm.xlane v3, v0;
	_ =	sdelay $0x1  }
0x73: {  	v3 =	vperm.xlane v3, v2;
	v4 =	vadd.s32 v1, v4;
	_ =	sdelay $0x1  }
0x74: {  	v3 =	vadd.s32 v1, v3;
	_ =	sdelay $0x2  }
0x75: {  	[tilespmem:s12], [sflag:$0x1] =	stream.indirect_vreg.gather [hbm4b:s2+s3], $0x80, v4, vm0, $0xb8;
	[tilespmem:$0x10100] =	vst v63  }
0x76: {  	_ = 	snop  }
0x77: {  	[tilespmem:s13], [sflag:$0x1] =	stream.indirect_vreg.gather [hbm4b:s2+s3], $0x80, v3, vm0, $0xb8;
	[tilespmem:$0x10100] =	vst v63  }
0x78: {  	v3 =	vld [tilespmem:$0x80];
	_ =	sdelay $0x4  }
0x79: {  	v56 =	vshll.u32 v3, $0x1  }
0x7a: {  	v3 =	vand.u32 $0x7, v3;
	v4 =	vand.u32 $0xFFFFFFF0, v56  }
0x7b: {  	v3 =	vor.u32 v3, v4  }
0x7c: {  	v4 =	vperm.xlane v3, v0;
	_ =	sdelay $0x1  }
0x7d: {  	v3 =	vperm.xlane v3, v2;
	v4 =	vadd.s32 v1, v4;
	_ =	sdelay $0x1  }
0x7e: {  	v3 =	vadd.s32 v1, v3;
	_ =	sdelay $0x2  }
0x7f: {  	[tilespmem:s14], [sflag:$0x2] =	stream.indirect_vreg.gather [hbm4b:s2+s3], $0x80, v4, vm0, $0xb8;
	[tilespmem:$0x10100] =	vst v63  }
0x80: {  	_ = 	snop  }
0x81: {  	[tilespmem:s15], [sflag:$0x2] =	stream.indirect_vreg.gather [hbm4b:s2+s3], $0x80, v3, vm0, $0xb8;
	[tilespmem:$0x10100] =	vst v63  }
0x82: {  	v3 =	vld [tilespmem:$0x90];
	_ =	sdelay $0x4  }
0x83: {  	v57 =	vshll.u32 v3, $0x1  }
0x84: {  	v3 =	vand.u32 $0x7, v3;
	v4 =	vand.u32 $0xFFFFFFF0, v57  }
0x85: {  	v3 =	vor.u32 v3, v4  }
0x86: {  	v4 =	vperm.xlane v3, v0;
	_ =	sdelay $0x1  }
0x87: {  	v3 =	vperm.xlane v3, v2;
	v4 =	vadd.s32 v1, v4;
	_ =	sdelay $0x1  }
0x88: {  	v3 =	vadd.s32 v1, v3;
	_ =	sdelay $0x2  }
0x89: {  	[tilespmem:s16], [sflag:$0x2] =	stream.indirect_vreg.gather [hbm4b:s2+s3], $0x80, v4, vm0, $0xb8;
	[tilespmem:$0x10100] =	vst v63  }
0x8a: {  	_ = 	snop  }
0x8b: {  	[tilespmem:s17], [sflag:$0x2] =	stream.indirect_vreg.gather [hbm4b:s2+s3], $0x80, v3, vm0, $0xb8;
	[tilespmem:$0x10100] =	vst v63  }
0x8c: {  	v3 =	vld [tilespmem:$0xA0];
	_ =	sdelay $0x4  }
0x8d: {  	v58 =	vshll.u32 v3, $0x1  }
0x8e: {  	v3 =	vand.u32 $0x7, v3;
	v4 =	vand.u32 $0xFFFFFFF0, v58  }
0x8f: {  	v3 =	vor.u32 v3, v4  }
0x90: {  	v4 =	vperm.xlane v3, v0;
	_ =	sdelay $0x1  }
0x91: {  	v3 =	vperm.xlane v3, v2;
	v4 =	vadd.s32 v1, v4;
	_ =	sdelay $0x1  }
0x92: {  	v3 =	vadd.s32 v1, v3;
	_ =	sdelay $0x2  }
0x93: {  	[tilespmem:s18], [sflag:$0x2] =	stream.indirect_vreg.gather [hbm4b:s2+s3], $0x80, v4, vm0, $0xb8;
	[tilespmem:$0x10100] =	vst v63  }
0x94: {  	_ = 	snop  }
0x95: {  	[tilespmem:s19], [sflag:$0x2] =	stream.indirect_vreg.gather [hbm4b:s2+s3], $0x80, v3, vm0, $0xb8;
	[tilespmem:$0x10100] =	vst v63  }
0x96: {  	v3 =	vld [tilespmem:$0xB0];
	_ =	sdelay $0x4  }
0x97: {  	v59 =	vshll.u32 v3, $0x1  }
0x98: {  	v3 =	vand.u32 $0x7, v3;
	v4 =	vand.u32 $0xFFFFFFF0, v59  }
0x99: {  	v3 =	vor.u32 v3, v4  }
0x9a: {  	v4 =	vperm.xlane v3, v0;
	_ =	sdelay $0x1  }
0x9b: {  	v3 =	vperm.xlane v3, v2;
	v4 =	vadd.s32 v1, v4;
	_ =	sdelay $0x1  }
0x9c: {  	v3 =	vadd.s32 v1, v3;
	_ =	sdelay $0x2  }
0x9d: {  	[tilespmem:s20], [sflag:$0x2] =	stream.indirect_vreg.gather [hbm4b:s2+s3], $0x80, v4, vm0, $0xb8;
	[tilespmem:$0x10100] =	vst v63  }
0x9e: {  	_ = 	snop  }
0x9f: {  	[tilespmem:s21], [sflag:$0x2] =	stream.indirect_vreg.gather [hbm4b:s2+s3], $0x80, v3, vm0, $0xb8;
	[tilespmem:$0x10100] =	vst v63  }
0xa0: {  	v3 =	vld [tilespmem:$0xC0];
	_ =	sdelay $0x4  }
0xa1: {  	v60 =	vshll.u32 v3, $0x1  }
0xa2: {  	v3 =	vand.u32 $0x7, v3;
	v4 =	vand.u32 $0xFFFFFFF0, v60  }
0xa3: {  	v3 =	vor.u32 v3, v4  }
0xa4: {  	v4 =	vperm.xlane v3, v0;
	_ =	sdelay $0x1  }
0xa5: {  	v3 =	vperm.xlane v3, v2;
	v4 =	vadd.s32 v1, v4;
	_ =	sdelay $0x1  }
0xa6: {  	v3 =	vadd.s32 v1, v3;
	_ =	sdelay $0x2  }
0xa7: {  	[tilespmem:s22], [sflag:$0x2] =	stream.indirect_vreg.gather [hbm4b:s2+s3], $0x80, v4, vm0, $0xb8;
	[tilespmem:$0x10100] =	vst v63  }
0xa8: {  	_ = 	snop  }
0xa9: {  	[tilespmem:s23], [sflag:$0x2] =	stream.indirect_vreg.gather [hbm4b:s2+s3], $0x80, v3, vm0, $0xb8;
	[tilespmem:$0x10100] =	vst v63  }
0xaa: {  	v3 =	vld [tilespmem:$0xD0];
	_ =	sdelay $0x4  }
0xab: {  	v61 =	vshll.u32 v3, $0x1  }
0xac: {  	v3 =	vand.u32 $0x7, v3;
	v4 =	vand.u32 $0xFFFFFFF0, v61  }
0xad: {  	v3 =	vor.u32 v3, v4  }
0xae: {  	v4 =	vperm.xlane v3, v0;
	_ =	sdelay $0x1  }
0xaf: {  	v3 =	vperm.xlane v3, v2;
	v4 =	vadd.s32 v1, v4;
	_ =	sdelay $0x1  }
0xb0: {  	v3 =	vadd.s32 v1, v3;
	_ =	sdelay $0x2  }
0xb1: {  	[tilespmem:s24], [sflag:$0x2] =	stream.indirect_vreg.gather [hbm4b:s2+s3], $0x80, v4, vm0, $0xb8;
	[tilespmem:$0x10100] =	vst v63  }
0xb2: {  	_ = 	snop  }
0xb3: {  	[tilespmem:s25], [sflag:$0x2] =	stream.indirect_vreg.gather [hbm4b:s2+s3], $0x80, v3, vm0, $0xb8;
	[tilespmem:$0x10100] =	vst v63  }
0xb4: {  	v3 =	vld [tilespmem:$0xE0];
	_ =	sdelay $0x4  }
0xb5: {  	v62 =	vshll.u32 v3, $0x1  }
0xb6: {  	v3 =	vand.u32 $0x7, v3;
	v4 =	vand.u32 $0xFFFFFFF0, v62  }
0xb7: {  	v3 =	vor.u32 v3, v4  }
0xb8: {  	v4 =	vperm.xlane v3, v0;
	_ =	sdelay $0x1  }
0xb9: {  	v3 =	vperm.xlane v3, v2;
	v4 =	vadd.s32 v1, v4;
	_ =	sdelay $0x1  }
0xba: {  	v3 =	vadd.s32 v1, v3;
	_ =	sdelay $0x2  }
0xbb: {  	[tilespmem:s26], [sflag:$0x2] =	stream.indirect_vreg.gather [hbm4b:s2+s3], $0x80, v4, vm0, $0xb8;
	[tilespmem:$0x10100] =	vst v63  }
0xbc: {  	_ = 	snop  }
0xbd: {  	[tilespmem:s28], [sflag:$0x2] =	stream.indirect_vreg.gather [hbm4b:s2+s3], $0x80, v3, vm0, $0xb8;
	[tilespmem:$0x10100] =	vst v63  }
0xbe: {  	v3 =	vld [tilespmem:$0xF0];
	_ =	sdelay $0x4  }
0xbf: {  	v63 =	vshll.u32 v3, $0x1  }
0xc0: {  	v3 =	vand.u32 $0x7, v3;
	v4 =	vand.u32 $0xFFFFFFF0, v63  }
0xc1: {  	v3 =	vor.u32 v3, v4  }
0xc2: {  	v4 =	vperm.xlane v3, v0;
	_ =	sdelay $0x1  }
0xc3: {  	v3 =	vperm.xlane v3, v2;
	v4 =	vadd.s32 v1, v4;
	_ =	sdelay $0x1  }
0xc4: {  	v3 =	vadd.s32 v1, v3;
	_ =	sdelay $0x2  }
0xc5: {  	[tilespmem:s29], [sflag:$0x2] =	stream.indirect_vreg.gather [hbm4b:s2+s3], $0x80, v4, vm0, $0xb8;
	[tilespmem:$0x10100] =	vst v63  }
0xc6: {  	_ = 	snop  }
0xc7: {  	[tilespmem:s30], [sflag:$0x2] =	stream.indirect_vreg.gather [hbm4b:s2+s3], $0x80, v3, vm0, $0xb8;
	[tilespmem:$0x10100] =	vst v63  }
0xc8: {  	_ =	swait.ge [sflag:s31], $0x8000  }
0xc9: {  	[sflag:s31] =	ssyncset.done $0x0  }
0xca: {  	[sflag:s31] =	ssyncadd.s32 $0xFFFF8000  }
0xcb: {  	_ =	swait.ge [sflag:s0], $0x8000  }
0xcc: {  	[sflag:s0] =	ssyncset.done $0x0  }
0xcd: {  	s7 =	rddreg [dreg:$0x5];
	[sflag:s0] =	ssyncadd.s32 $0xFFFF8000  }
0xce: {  	[hbm4b:s7+s3] =	stream.linear.scatter [tilespmem:s6], [sflag:$0x3], $0x8000, $0x38;
	[tilespmem:$0x10100] =	vst v63  }
0xcf: {  	_ =	swait.ge [sflag:s5], $0x8000  }
0xd0: {  	p0 =	sne.s32 s4, $0x1;
	[sflag:s5] =	ssyncset.done $0x0  }
.Ltmp0:
0xd1: {  	s7 =	rddreg [dreg:$0x6];
	[sflag:s5] =	ssyncadd.s32 $0xFFFF8000;
	(pc) =	sbr.rel @p0 .LBB2_1-.Ltmp0, $4  }
0xd2: {  	[hbm4b:s7+s3] =	stream.linear.scatter [tilespmem:s14], [sflag:$0x3], $0x8000, $0x38;
	[tilespmem:$0x10100] =	vst v63  }
0xd3: {  	_ =	swait.ge [sflag:s5], $0x8000  }
0xd4: {  	[sflag:s5] =	ssyncset.done $0x0  }
0xd5: {  	s4 =	sadd.s32 $0xFFFFFFFF, s4;
	[sflag:s5] =	ssyncadd.s32 $0xFFFF8000  }
0xd6: {  	_ =	sfence.sel $0x180000  }
0xd7: {  	[bflag:$0x0] =	sbarrier.arrive $0xFFFF  }
0xd8: {  	_ =	strace $0x90000047  }
0xd9: {  	s0 =	stileid.u32;
	[bflag:$0x2] =	sbarrier.arrive $0xFFFF  }
0xda: {  	p0 =	sne.s32 s0, $0x0;
	s0 =	rddreg [dreg:$0x2]  }
0xdb: {  	s0 =	sadd.s32 @!p0 $0x100000, s0  }
0xdc: {  	[sflag:s0] =	ssyncadd.tile.s32 @!p0 $0x1;
	_ =	shalt  }
.Lfunc_end2:
_tile_overlayer_lowered:
.L_overlay_start_2:
0xdd: {  	(tag) =	ssettag $0x2  }
0xde: {  	s0 =	rddreg [dreg:$0x0];
	s2 =	stileid.u32  }
0xdf: {  	s1 =	rddreg [dreg:$0x1];
	p0 =	sne.s32 s2, $0x0  }
0xe0: {  	s3 =	rddreg [dreg:$0x2];
	[bflag:$0x3] =	sbarrier.arrive $0xFFFF;
	s2 =	simm.s32 @!p0 $0x1C03  }
0xe1: {  	[timem:s3], [sflag:s2] =	dma.local @!p0 [hbm:s0], s1  }
0xe2: {  	s0 =	simm.s32 @!p0 $0x3  }
0xe3: {  	_ =	swait.ge @!p0 [sflag:s0], s1  }
0xe4: {  	s1 =	ssub.s32 @!p0 $0x0, s1;
	[sflag:s0] =	ssyncset.done @!p0 $0x0  }
0xe5: {  	[sflag:s0] =	ssyncadd.s32 @!p0 s1  }
0xe6: {  	[bflag:$0x3] =	sbarrier.arrive $0xFFFF  }
0xe7: {  	_ =	shalt  }

</sc_bundles>
